<compile_context>
chip_gen: v7x
topology: tpu7x:2x2x1
jax: 0.10.2.dev20260603
libtpu: 0.0.44.dev20260713+nightly
codegen_flags: <defaults>
</compile_context>

<pallas_src>
import functools

import jax
import jax.numpy as jnp
from jax import lax
from jax.experimental import pallas as pl
from jax.experimental.pallas import tpu as pltpu
from jax.experimental.pallas import tpu_sc as plsc

_NC = 2
_NS = 16
_NW = _NC * _NS


def kernel(camera_idx, rotations, translations):
    B, = camera_idx.shape
    N, D = rotations.shape
    P = 2 * D
    per_w = B // _NW

    tabs = jnp.concatenate(
        [rotations.T.reshape(-1), translations.T.reshape(-1)]).reshape(P, N)

    mesh = plsc.VectorSubcoreMesh(core_axis_name="c", subcore_axis_name="s")

    @functools.partial(
        pl.kernel,
        out_type=jax.ShapeDtypeStruct((P * B,), jnp.float32),
        mesh=mesh,
        scratch_types=[
            pltpu.VMEM((per_w,), jnp.int32),
            pltpu.VMEM((P, per_w), jnp.float32),
            pltpu.SemaphoreType.DMA,
        ],
        compiler_params=pltpu.CompilerParams(use_tc_tiling_on_sc=False),
    )
    def _gather(idx_hbm, tabs_hbm, out_hbm, idx_v, val_v, sem):
        wid = lax.axis_index("s") * _NC + lax.axis_index("c")
        base = wid * per_w

        pltpu.sync_copy(idx_hbm.at[pl.ds(base, per_w)], idx_v)

        copies = [
            pltpu.async_copy(tabs_hbm.at[p].at[idx_v], val_v.at[p], sem)
            for p in range(P)
        ]
        for cp in copies:
            cp.wait()

        for p in range(P):
            pltpu.sync_copy(val_v.at[p],
                            out_hbm.at[pl.ds(p * B + base, per_w)])

    out = _gather(camera_idx, tabs)
    soa = out.reshape(P, B)
    return (soa[:D].T, soa[D:].T)

# --- scband reference (transcript-rebuilt; emitter-appended) ---
"""Pipeline reference for scband-extrinsic-model-76407468196307 (READ-ONLY COPY).

The authoritative reference and input builder live on the scoring server;
editing this copy changes nothing except your own understanding.
"""

import jax, jax.numpy as jnp
import numpy as np

NUM_CAMERA = 100000
BATCH = 16384


def setup_inputs(seed: int = 0) -> dict:
    key = jax.random.key(seed)
    k1, k2, k3 = jax.random.split(key, 3)
    camera_idx = jax.random.randint(k1, (BATCH,), 0, NUM_CAMERA, dtype=jnp.int32)
    # Learned parameters: nn.Parameter tables of shape (num_camera, 3).
    # Torch initializes them to zeros; we use small random values so the
    # gather is numerically non-trivial while keeping the same math.
    rotations = jax.random.normal(k2, (NUM_CAMERA, 3), dtype=jnp.float32) * 0.01
    translations = jax.random.normal(k3, (NUM_CAMERA, 3), dtype=jnp.float32) * 0.01
    return {"camera_idx": camera_idx, "rotations": rotations, "translations": translations}


def reference(camera_idx, rotations, translations):
    # Faithful translation of ExtrinsicModel.forward: two row-gathers
    # from the rotation and translation parameter tables.
    trans_delta = jnp.take(translations, camera_idx, axis=0)
    rot_delta = jnp.take(rotations, camera_idx, axis=0)
    return (rot_delta, trans_delta)

if __name__ == "__main__":
    import jax
    _d = setup_inputs()
    print(jax.jit(kernel)(*tuple(_d.values())))

</pallas_src>

<mosaic_0001>
#map = affine_map<(d0, d1) -> (0)>
#map1 = affine_map<(d0, d1) -> (0, 0)>
module attributes {stable_mosaic.version = 14 : i64} {
  func.func @_gather(%arg0: i32, %arg1: i32, %arg2: memref<16384xi32, #tpu.memory_space<hbm>>, %arg3: memref<6x100000xf32, #tpu.memory_space<hbm>>, %arg4: memref<98304xf32, #tpu.memory_space<hbm>>, %arg5: memref<512xi32, #tpu.memory_space<vmem>>, %arg6: memref<6x512xf32, #tpu.memory_space<vmem>>, %arg7: memref<!tpu.dma_semaphore, #tpu.memory_space<semaphore_mem>>) attributes {dimension_semantics = [#tpu.dimension_semantics<core_parallel>, #tpu.dimension_semantics<subcore_parallel>], iteration_bounds = array<i64: 2, 16>, scalar_prefetch = 0 : i64, scratch_operands = 3 : i64, tpu.core_type = #tpu.core_type<sc_vector_subcore>, window_params = [{transform_indices = #map}, {transform_indices = #map1}, {transform_indices = #map}]} {
    %mul3A = arith.constant 2 : i32
    %mul3A_0 = arith.muli %arg1, %mul3A : i32
    %add3A = arith.addi %mul3A_0, %arg0 : i32
    %mul3A_1 = arith.constant 512 : i32
    %mul3A_2 = arith.muli %add3A, %mul3A_1 : i32
    "tpu.region"() ({
      %run_scoped3A_138 = tpu.sem_alloc : memref<!tpu.dma_semaphore, #tpu.memory_space<semaphore_mem>>
      %dma_start3A_139 = tpu.memref_slice %arg2[%mul3A_2] : memref<16384xi32, #tpu.memory_space<hbm>> -> memref<512xi32, #tpu.memory_space<hbm>>
      %dma_start3A_140 = tpu.memref_slice %arg2[%mul3A_2] : memref<16384xi32, #tpu.memory_space<hbm>> -> memref<512xi32, #tpu.memory_space<hbm>>
      tpu.enqueue_dma source(%dma_start3A_140 : memref<512xi32, #tpu.memory_space<hbm>>) target(%arg5 : memref<512xi32, #tpu.memory_space<vmem>>) target_semaphore(%run_scoped3A_138 : memref<!tpu.dma_semaphore, #tpu.memory_space<semaphore_mem>>)
      %dma_wait3A_141 = tpu.memref_slice %arg2[%mul3A_2] : memref<16384xi32, #tpu.memory_space<hbm>> -> memref<512xi32, #tpu.memory_space<hbm>>
      %dma_wait3A_142 = tpu.memref_slice %arg2[%mul3A_2] : memref<16384xi32, #tpu.memory_space<hbm>> -> memref<512xi32, #tpu.memory_space<hbm>>
      tpu.wait_dma2 semaphore(%run_scoped3A_138 : memref<!tpu.dma_semaphore, #tpu.memory_space<semaphore_mem>>) src(%dma_wait3A_142 : memref<512xi32, #tpu.memory_space<hbm>>) dst(%arg5 : memref<512xi32, #tpu.memory_space<vmem>>)
      tpu.yield
    }) : () -> ()
    %dma_start3A = arith.constant 0 : i32
    %dma_start3A_3 = arith.constant 0 : i32
    %dma_start3A_4 = arith.constant 0 : i32
    %dma_start3A_5 = tpu.memref_slice %arg6[%dma_start3A_3, %dma_start3A_4] : memref<6x512xf32, #tpu.memory_space<vmem>> -> memref<1x512xf32, #tpu.memory_space<vmem>>
    %dma_start3A_6 = tpu.memref_squeeze %dma_start3A_5 : memref<1x512xf32, #tpu.memory_space<vmem>> -> memref<512xf32, #tpu.memory_space<vmem>>
    %dma_start3A_7 = arith.constant 0 : i32
    %dma_start3A_8 = tpu.memref_slice %arg3[%dma_start3A, %dma_start3A_7] : memref<6x100000xf32, #tpu.memory_space<hbm>> -> memref<1x100000xf32, #tpu.memory_space<hbm>>
    %dma_start3A_9 = tpu.memref_squeeze %dma_start3A_8 : memref<1x100000xf32, #tpu.memory_space<hbm>> -> memref<100000xf32, #tpu.memory_space<hbm>>
    %dma_start3A_10 = arith.constant 0 : i32
    %dma_start3A_11 = tpu.memref_slice %dma_start3A_9[%dma_start3A_10] : memref<100000xf32, #tpu.memory_space<hbm>> -> memref<100000xf32, #tpu.memory_space<hbm>>
    tpu.enqueue_indirect_dma source(%dma_start3A_11 : memref<100000xf32, #tpu.memory_space<hbm>>) target(%dma_start3A_6 : memref<512xf32, #tpu.memory_space<vmem>>) offsets(%arg5 : memref<512xi32, #tpu.memory_space<vmem>>) semaphore(%arg7 : memref<!tpu.dma_semaphore, #tpu.memory_space<semaphore_mem>>)
    %dma_start3A_12 = arith.constant 1 : i32
    %dma_start3A_13 = arith.constant 1 : i32
    %dma_start3A_14 = arith.constant 0 : i32
    %dma_start3A_15 = tpu.memref_slice %arg6[%dma_start3A_13, %dma_start3A_14] : memref<6x512xf32, #tpu.memory_space<vmem>> -> memref<1x512xf32, #tpu.memory_space<vmem>>
    %dma_start3A_16 = tpu.memref_squeeze %dma_start3A_15 : memref<1x512xf32, #tpu.memory_space<vmem>> -> memref<512xf32, #tpu.memory_space<vmem>>
    %dma_start3A_17 = arith.constant 0 : i32
    %dma_start3A_18 = tpu.memref_slice %arg3[%dma_start3A_12, %dma_start3A_17] : memref<6x100000xf32, #tpu.memory_space<hbm>> -> memref<1x100000xf32, #tpu.memory_space<hbm>>
    %dma_start3A_19 = tpu.memref_squeeze %dma_start3A_18 : memref<1x100000xf32, #tpu.memory_space<hbm>> -> memref<100000xf32, #tpu.memory_space<hbm>>
    %dma_start3A_20 = arith.constant 0 : i32
    %dma_start3A_21 = tpu.memref_slice %dma_start3A_19[%dma_start3A_20] : memref<100000xf32, #tpu.memory_space<hbm>> -> memref<100000xf32, #tpu.memory_space<hbm>>
    tpu.enqueue_indirect_dma source(%dma_start3A_21 : memref<100000xf32, #tpu.memory_space<hbm>>) target(%dma_start3A_16 : memref<512xf32, #tpu.memory_space<vmem>>) offsets(%arg5 : memref<512xi32, #tpu.memory_space<vmem>>) semaphore(%arg7 : memref<!tpu.dma_semaphore, #tpu.memory_space<semaphore_mem>>)
    %dma_start3A_22 = arith.constant 2 : i32
    %dma_start3A_23 = arith.constant 2 : i32
    %dma_start3A_24 = arith.constant 0 : i32
    %dma_start3A_25 = tpu.memref_slice %arg6[%dma_start3A_23, %dma_start3A_24] : memref<6x512xf32, #tpu.memory_space<vmem>> -> memref<1x512xf32, #tpu.memory_space<vmem>>
    %dma_start3A_26 = tpu.memref_squeeze %dma_start3A_25 : memref<1x512xf32, #tpu.memory_space<vmem>> -> memref<512xf32, #tpu.memory_space<vmem>>
    %dma_start3A_27 = arith.constant 0 : i32
    %dma_start3A_28 = tpu.memref_slice %arg3[%dma_start3A_22, %dma_start3A_27] : memref<6x100000xf32, #tpu.memory_space<hbm>> -> memref<1x100000xf32, #tpu.memory_space<hbm>>
    %dma_start3A_29 = tpu.memref_squeeze %dma_start3A_28 : memref<1x100000xf32, #tpu.memory_space<hbm>> -> memref<100000xf32, #tpu.memory_space<hbm>>
    %dma_start3A_30 = arith.constant 0 : i32
    %dma_start3A_31 = tpu.memref_slice %dma_start3A_29[%dma_start3A_30] : memref<100000xf32, #tpu.memory_space<hbm>> -> memref<100000xf32, #tpu.memory_space<hbm>>
    tpu.enqueue_indirect_dma source(%dma_start3A_31 : memref<100000xf32, #tpu.memory_space<hbm>>) target(%dma_start3A_26 : memref<512xf32, #tpu.memory_space<vmem>>) offsets(%arg5 : memref<512xi32, #tpu.memory_space<vmem>>) semaphore(%arg7 : memref<!tpu.dma_semaphore, #tpu.memory_space<semaphore_mem>>)
    %dma_start3A_32 = arith.constant 3 : i32
    %dma_start3A_33 = arith.constant 3 : i32
    %dma_start3A_34 = arith.constant 0 : i32
    %dma_start3A_35 = tpu.memref_slice %arg6[%dma_start3A_33, %dma_start3A_34] : memref<6x512xf32, #tpu.memory_space<vmem>> -> memref<1x512xf32, #tpu.memory_space<vmem>>
    %dma_start3A_36 = tpu.memref_squeeze %dma_start3A_35 : memref<1x512xf32, #tpu.memory_space<vmem>> -> memref<512xf32, #tpu.memory_space<vmem>>
    %dma_start3A_37 = arith.constant 0 : i32
    %dma_start3A_38 = tpu.memref_slice %arg3[%dma_start3A_32, %dma_start3A_37] : memref<6x100000xf32, #tpu.memory_space<hbm>> -> memref<1x100000xf32, #tpu.memory_space<hbm>>
    %dma_start3A_39 = tpu.memref_squeeze %dma_start3A_38 : memref<1x100000xf32, #tpu.memory_space<hbm>> -> memref<100000xf32, #tpu.memory_space<hbm>>
    %dma_start3A_40 = arith.constant 0 : i32
    %dma_start3A_41 = tpu.memref_slice %dma_start3A_39[%dma_start3A_40] : memref<100000xf32, #tpu.memory_space<hbm>> -> memref<100000xf32, #tpu.memory_space<hbm>>
    tpu.enqueue_indirect_dma source(%dma_start3A_41 : memref<100000xf32, #tpu.memory_space<hbm>>) target(%dma_start3A_36 : memref<512xf32, #tpu.memory_space<vmem>>) offsets(%arg5 : memref<512xi32, #tpu.memory_space<vmem>>) semaphore(%arg7 : memref<!tpu.dma_semaphore, #tpu.memory_space<semaphore_mem>>)
    %dma_start3A_42 = arith.constant 4 : i32
    %dma_start3A_43 = arith.constant 4 : i32
    %dma_start3A_44 = arith.constant 0 : i32
    %dma_start3A_45 = tpu.memref_slice %arg6[%dma_start3A_43, %dma_start3A_44] : memref<6x512xf32, #tpu.memory_space<vmem>> -> memref<1x512xf32, #tpu.memory_space<vmem>>
    %dma_start3A_46 = tpu.memref_squeeze %dma_start3A_45 : memref<1x512xf32, #tpu.memory_space<vmem>> -> memref<512xf32, #tpu.memory_space<vmem>>
    %dma_start3A_47 = arith.constant 0 : i32
    %dma_start3A_48 = tpu.memref_slice %arg3[%dma_start3A_42, %dma_start3A_47] : memref<6x100000xf32, #tpu.memory_space<hbm>> -> memref<1x100000xf32, #tpu.memory_space<hbm>>
    %dma_start3A_49 = tpu.memref_squeeze %dma_start3A_48 : memref<1x100000xf32, #tpu.memory_space<hbm>> -> memref<100000xf32, #tpu.memory_space<hbm>>
    %dma_start3A_50 = arith.constant 0 : i32
    %dma_start3A_51 = tpu.memref_slice %dma_start3A_49[%dma_start3A_50] : memref<100000xf32, #tpu.memory_space<hbm>> -> memref<100000xf32, #tpu.memory_space<hbm>>
    tpu.enqueue_indirect_dma source(%dma_start3A_51 : memref<100000xf32, #tpu.memory_space<hbm>>) target(%dma_start3A_46 : memref<512xf32, #tpu.memory_space<vmem>>) offsets(%arg5 : memref<512xi32, #tpu.memory_space<vmem>>) semaphore(%arg7 : memref<!tpu.dma_semaphore, #tpu.memory_space<semaphore_mem>>)
    %dma_start3A_52 = arith.constant 5 : i32
    %dma_start3A_53 = arith.constant 5 : i32
    %dma_start3A_54 = arith.constant 0 : i32
    %dma_start3A_55 = tpu.memref_slice %arg6[%dma_start3A_53, %dma_start3A_54] : memref<6x512xf32, #tpu.memory_space<vmem>> -> memref<1x512xf32, #tpu.memory_space<vmem>>
    %dma_start3A_56 = tpu.memref_squeeze %dma_start3A_55 : memref<1x512xf32, #tpu.memory_space<vmem>> -> memref<512xf32, #tpu.memory_space<vmem>>
    %dma_start3A_57 = arith.constant 0 : i32
    %dma_start3A_58 = tpu.memref_slice %arg3[%dma_start3A_52, %dma_start3A_57] : memref<6x100000xf32, #tpu.memory_space<hbm>> -> memref<1x100000xf32, #tpu.memory_space<hbm>>
    %dma_start3A_59 = tpu.memref_squeeze %dma_start3A_58 : memref<1x100000xf32, #tpu.memory_space<hbm>> -> memref<100000xf32, #tpu.memory_space<hbm>>
    %dma_start3A_60 = arith.constant 0 : i32
    %dma_start3A_61 = tpu.memref_slice %dma_start3A_59[%dma_start3A_60] : memref<100000xf32, #tpu.memory_space<hbm>> -> memref<100000xf32, #tpu.memory_space<hbm>>
    tpu.enqueue_indirect_dma source(%dma_start3A_61 : memref<100000xf32, #tpu.memory_space<hbm>>) target(%dma_start3A_56 : memref<512xf32, #tpu.memory_space<vmem>>) offsets(%arg5 : memref<512xi32, #tpu.memory_space<vmem>>) semaphore(%arg7 : memref<!tpu.dma_semaphore, #tpu.memory_space<semaphore_mem>>)
    %dma_wait3A = arith.constant 0 : i32
    %dma_wait3A_62 = arith.constant 0 : i32
    %dma_wait3A_63 = arith.constant 0 : i32
    %dma_wait3A_64 = tpu.memref_slice %arg6[%dma_wait3A_62, %dma_wait3A_63] : memref<6x512xf32, #tpu.memory_space<vmem>> -> memref<1x512xf32, #tpu.memory_space<vmem>>
    %dma_wait3A_65 = tpu.memref_squeeze %dma_wait3A_64 : memref<1x512xf32, #tpu.memory_space<vmem>> -> memref<512xf32, #tpu.memory_space<vmem>>
    %dma_wait3A_66 = arith.constant 0 : i32
    %dma_wait3A_67 = tpu.memref_slice %arg3[%dma_wait3A, %dma_wait3A_66] : memref<6x100000xf32, #tpu.memory_space<hbm>> -> memref<1x100000xf32, #tpu.memory_space<hbm>>
    %dma_wait3A_68 = tpu.memref_squeeze %dma_wait3A_67 : memref<1x100000xf32, #tpu.memory_space<hbm>> -> memref<100000xf32, #tpu.memory_space<hbm>>
    %dma_wait3A_69 = arith.constant 0 : i32
    %dma_wait3A_70 = tpu.memref_slice %dma_wait3A_68[%dma_wait3A_69] : memref<100000xf32, #tpu.memory_space<hbm>> -> memref<100000xf32, #tpu.memory_space<hbm>>
    tpu.wait_indirect_dma semaphore(%arg7 : memref<!tpu.dma_semaphore, #tpu.memory_space<semaphore_mem>>) src(%dma_wait3A_70 : memref<100000xf32, #tpu.memory_space<hbm>>) dst(%dma_wait3A_65 : memref<512xf32, #tpu.memory_space<vmem>>)
    %dma_wait3A_71 = arith.constant 1 : i32
    %dma_wait3A_72 = arith.constant 1 : i32
    %dma_wait3A_73 = arith.constant 0 : i32
    %dma_wait3A_74 = tpu.memref_slice %arg6[%dma_wait3A_72, %dma_wait3A_73] : memref<6x512xf32, #tpu.memory_space<vmem>> -> memref<1x512xf32, #tpu.memory_space<vmem>>
    %dma_wait3A_75 = tpu.memref_squeeze %dma_wait3A_74 : memref<1x512xf32, #tpu.memory_space<vmem>> -> memref<512xf32, #tpu.memory_space<vmem>>
    %dma_wait3A_76 = arith.constant 0 : i32
    %dma_wait3A_77 = tpu.memref_slice %arg3[%dma_wait3A_71, %dma_wait3A_76] : memref<6x100000xf32, #tpu.memory_space<hbm>> -> memref<1x100000xf32, #tpu.memory_space<hbm>>
    %dma_wait3A_78 = tpu.memref_squeeze %dma_wait3A_77 : memref<1x100000xf32, #tpu.memory_space<hbm>> -> memref<100000xf32, #tpu.memory_space<hbm>>
    %dma_wait3A_79 = arith.constant 0 : i32
    %dma_wait3A_80 = tpu.memref_slice %dma_wait3A_78[%dma_wait3A_79] : memref<100000xf32, #tpu.memory_space<hbm>> -> memref<100000xf32, #tpu.memory_space<hbm>>
    tpu.wait_indirect_dma semaphore(%arg7 : memref<!tpu.dma_semaphore, #tpu.memory_space<semaphore_mem>>) src(%dma_wait3A_80 : memref<100000xf32, #tpu.memory_space<hbm>>) dst(%dma_wait3A_75 : memref<512xf32, #tpu.memory_space<vmem>>)
    %dma_wait3A_81 = arith.constant 2 : i32
    %dma_wait3A_82 = arith.constant 2 : i32
    %dma_wait3A_83 = arith.constant 0 : i32
    %dma_wait3A_84 = tpu.memref_slice %arg6[%dma_wait3A_82, %dma_wait3A_83] : memref<6x512xf32, #tpu.memory_space<vmem>> -> memref<1x512xf32, #tpu.memory_space<vmem>>
    %dma_wait3A_85 = tpu.memref_squeeze %dma_wait3A_84 : memref<1x512xf32, #tpu.memory_space<vmem>> -> memref<512xf32, #tpu.memory_space<vmem>>
    %dma_wait3A_86 = arith.constant 0 : i32
    %dma_wait3A_87 = tpu.memref_slice %arg3[%dma_wait3A_81, %dma_wait3A_86] : memref<6x100000xf32, #tpu.memory_space<hbm>> -> memref<1x100000xf32, #tpu.memory_space<hbm>>
    %dma_wait3A_88 = tpu.memref_squeeze %dma_wait3A_87 : memref<1x100000xf32, #tpu.memory_space<hbm>> -> memref<100000xf32, #tpu.memory_space<hbm>>
    %dma_wait3A_89 = arith.constant 0 : i32
    %dma_wait3A_90 = tpu.memref_slice %dma_wait3A_88[%dma_wait3A_89] : memref<100000xf32, #tpu.memory_space<hbm>> -> memref<100000xf32, #tpu.memory_space<hbm>>
    tpu.wait_indirect_dma semaphore(%arg7 : memref<!tpu.dma_semaphore, #tpu.memory_space<semaphore_mem>>) src(%dma_wait3A_90 : memref<100000xf32, #tpu.memory_space<hbm>>) dst(%dma_wait3A_85 : memref<512xf32, #tpu.memory_space<vmem>>)
    %dma_wait3A_91 = arith.constant 3 : i32
    %dma_wait3A_92 = arith.constant 3 : i32
    %dma_wait3A_93 = arith.constant 0 : i32
    %dma_wait3A_94 = tpu.memref_slice %arg6[%dma_wait3A_92, %dma_wait3A_93] : memref<6x512xf32, #tpu.memory_space<vmem>> -> memref<1x512xf32, #tpu.memory_space<vmem>>
    %dma_wait3A_95 = tpu.memref_squeeze %dma_wait3A_94 : memref<1x512xf32, #tpu.memory_space<vmem>> -> memref<512xf32, #tpu.memory_space<vmem>>
    %dma_wait3A_96 = arith.constant 0 : i32
    %dma_wait3A_97 = tpu.memref_slice %arg3[%dma_wait3A_91, %dma_wait3A_96] : memref<6x100000xf32, #tpu.memory_space<hbm>> -> memref<1x100000xf32, #tpu.memory_space<hbm>>
    %dma_wait3A_98 = tpu.memref_squeeze %dma_wait3A_97 : memref<1x100000xf32, #tpu.memory_space<hbm>> -> memref<100000xf32, #tpu.memory_space<hbm>>
    %dma_wait3A_99 = arith.constant 0 : i32
    %dma_wait3A_100 = tpu.memref_slice %dma_wait3A_98[%dma_wait3A_99] : memref<100000xf32, #tpu.memory_space<hbm>> -> memref<100000xf32, #tpu.memory_space<hbm>>
    tpu.wait_indirect_dma semaphore(%arg7 : memref<!tpu.dma_semaphore, #tpu.memory_space<semaphore_mem>>) src(%dma_wait3A_100 : memref<100000xf32, #tpu.memory_space<hbm>>) dst(%dma_wait3A_95 : memref<512xf32, #tpu.memory_space<vmem>>)
    %dma_wait3A_101 = arith.constant 4 : i32
    %dma_wait3A_102 = arith.constant 4 : i32
    %dma_wait3A_103 = arith.constant 0 : i32
    %dma_wait3A_104 = tpu.memref_slice %arg6[%dma_wait3A_102, %dma_wait3A_103] : memref<6x512xf32, #tpu.memory_space<vmem>> -> memref<1x512xf32, #tpu.memory_space<vmem>>
    %dma_wait3A_105 = tpu.memref_squeeze %dma_wait3A_104 : memref<1x512xf32, #tpu.memory_space<vmem>> -> memref<512xf32, #tpu.memory_space<vmem>>
    %dma_wait3A_106 = arith.constant 0 : i32
    %dma_wait3A_107 = tpu.memref_slice %arg3[%dma_wait3A_101, %dma_wait3A_106] : memref<6x100000xf32, #tpu.memory_space<hbm>> -> memref<1x100000xf32, #tpu.memory_space<hbm>>
    %dma_wait3A_108 = tpu.memref_squeeze %dma_wait3A_107 : memref<1x100000xf32, #tpu.memory_space<hbm>> -> memref<100000xf32, #tpu.memory_space<hbm>>
    %dma_wait3A_109 = arith.constant 0 : i32
    %dma_wait3A_110 = tpu.memref_slice %dma_wait3A_108[%dma_wait3A_109] : memref<100000xf32, #tpu.memory_space<hbm>> -> memref<100000xf32, #tpu.memory_space<hbm>>
    tpu.wait_indirect_dma semaphore(%arg7 : memref<!tpu.dma_semaphore, #tpu.memory_space<semaphore_mem>>) src(%dma_wait3A_110 : memref<100000xf32, #tpu.memory_space<hbm>>) dst(%dma_wait3A_105 : memref<512xf32, #tpu.memory_space<vmem>>)
    %dma_wait3A_111 = arith.constant 5 : i32
    %dma_wait3A_112 = arith.constant 5 : i32
    %dma_wait3A_113 = arith.constant 0 : i32
    %dma_wait3A_114 = tpu.memref_slice %arg6[%dma_wait3A_112, %dma_wait3A_113] : memref<6x512xf32, #tpu.memory_space<vmem>> -> memref<1x512xf32, #tpu.memory_space<vmem>>
    %dma_wait3A_115 = tpu.memref_squeeze %dma_wait3A_114 : memref<1x512xf32, #tpu.memory_space<vmem>> -> memref<512xf32, #tpu.memory_space<vmem>>
    %dma_wait3A_116 = arith.constant 0 : i32
    %dma_wait3A_117 = tpu.memref_slice %arg3[%dma_wait3A_111, %dma_wait3A_116] : memref<6x100000xf32, #tpu.memory_space<hbm>> -> memref<1x100000xf32, #tpu.memory_space<hbm>>
    %dma_wait3A_118 = tpu.memref_squeeze %dma_wait3A_117 : memref<1x100000xf32, #tpu.memory_space<hbm>> -> memref<100000xf32, #tpu.memory_space<hbm>>
    %dma_wait3A_119 = arith.constant 0 : i32
    %dma_wait3A_120 = tpu.memref_slice %dma_wait3A_118[%dma_wait3A_119] : memref<100000xf32, #tpu.memory_space<hbm>> -> memref<100000xf32, #tpu.memory_space<hbm>>
    tpu.wait_indirect_dma semaphore(%arg7 : memref<!tpu.dma_semaphore, #tpu.memory_space<semaphore_mem>>) src(%dma_wait3A_120 : memref<100000xf32, #tpu.memory_space<hbm>>) dst(%dma_wait3A_115 : memref<512xf32, #tpu.memory_space<vmem>>)
    %add3A_121 = arith.constant 0 : i32
    %add3A_122 = arith.addi %add3A_121, %mul3A_2 : i32
    %run_scoped3A = arith.constant 0 : i32
    "tpu.region"() ({
      %run_scoped3A_138 = tpu.sem_alloc : memref<!tpu.dma_semaphore, #tpu.memory_space<semaphore_mem>>
      %dma_start3A_139 = arith.constant 0 : i32
      %dma_start3A_140 = tpu.memref_slice %arg6[%run_scoped3A, %dma_start3A_139] : memref<6x512xf32, #tpu.memory_space<vmem>> -> memref<1x512xf32, #tpu.memory_space<vmem>>
      %dma_start3A_141 = tpu.memref_squeeze %dma_start3A_140 : memref<1x512xf32, #tpu.memory_space<vmem>> -> memref<512xf32, #tpu.memory_space<vmem>>
      %dma_start3A_142 = tpu.memref_slice %arg4[%add3A_122] : memref<98304xf32, #tpu.memory_space<hbm>> -> memref<512xf32, #tpu.memory_space<hbm>>
      %dma_start3A_143 = tpu.memref_slice %arg4[%add3A_122] : memref<98304xf32, #tpu.memory_space<hbm>> -> memref<512xf32, #tpu.memory_space<hbm>>
      %dma_start3A_144 = arith.constant 0 : i32
      %dma_start3A_145 = tpu.memref_slice %arg6[%run_scoped3A, %dma_start3A_144] : memref<6x512xf32, #tpu.memory_space<vmem>> -> memref<1x512xf32, #tpu.memory_space<vmem>>
      %dma_start3A_146 = tpu.memref_squeeze %dma_start3A_145 : memref<1x512xf32, #tpu.memory_space<vmem>> -> memref<512xf32, #tpu.memory_space<vmem>>
      tpu.enqueue_dma source(%dma_start3A_146 : memref<512xf32, #tpu.memory_space<vmem>>) target(%dma_start3A_143 : memref<512xf32, #tpu.memory_space<hbm>>) target_semaphore(%run_scoped3A_138 : memref<!tpu.dma_semaphore, #tpu.memory_space<semaphore_mem>>)
      %dma_wait3A_147 = arith.constant 0 : i32
      %dma_wait3A_148 = tpu.memref_slice %arg6[%run_scoped3A, %dma_wait3A_147] : memref<6x512xf32, #tpu.memory_space<vmem>> -> memref<1x512xf32, #tpu.memory_space<vmem>>
      %dma_wait3A_149 = tpu.memref_squeeze %dma_wait3A_148 : memref<1x512xf32, #tpu.memory_space<vmem>> -> memref<512xf32, #tpu.memory_space<vmem>>
      %dma_wait3A_150 = tpu.memref_slice %arg4[%add3A_122] : memref<98304xf32, #tpu.memory_space<hbm>> -> memref<512xf32, #tpu.memory_space<hbm>>
      %dma_wait3A_151 = tpu.memref_slice %arg4[%add3A_122] : memref<98304xf32, #tpu.memory_space<hbm>> -> memref<512xf32, #tpu.memory_space<hbm>>
      %dma_wait3A_152 = arith.constant 0 : i32
      %dma_wait3A_153 = tpu.memref_slice %arg6[%run_scoped3A, %dma_wait3A_152] : memref<6x512xf32, #tpu.memory_space<vmem>> -> memref<1x512xf32, #tpu.memory_space<vmem>>
      %dma_wait3A_154 = tpu.memref_squeeze %dma_wait3A_153 : memref<1x512xf32, #tpu.memory_space<vmem>> -> memref<512xf32, #tpu.memory_space<vmem>>
      tpu.wait_dma2 semaphore(%run_scoped3A_138 : memref<!tpu.dma_semaphore, #tpu.memory_space<semaphore_mem>>) src(%dma_wait3A_154 : memref<512xf32, #tpu.memory_space<vmem>>) dst(%dma_wait3A_151 : memref<512xf32, #tpu.memory_space<hbm>>)
      tpu.yield
    }) : () -> ()
    %add3A_123 = arith.constant 16384 : i32
    %add3A_124 = arith.addi %add3A_123, %mul3A_2 : i32
    %run_scoped3A_125 = arith.constant 1 : i32
    "tpu.region"() ({
      %run_scoped3A_138 = tpu.sem_alloc : memref<!tpu.dma_semaphore, #tpu.memory_space<semaphore_mem>>
      %dma_start3A_139 = arith.constant 0 : i32
      %dma_start3A_140 = tpu.memref_slice %arg6[%run_scoped3A_125, %dma_start3A_139] : memref<6x512xf32, #tpu.memory_space<vmem>> -> memref<1x512xf32, #tpu.memory_space<vmem>>
      %dma_start3A_141 = tpu.memref_squeeze %dma_start3A_140 : memref<1x512xf32, #tpu.memory_space<vmem>> -> memref<512xf32, #tpu.memory_space<vmem>>
      %dma_start3A_142 = tpu.memref_slice %arg4[%add3A_124] : memref<98304xf32, #tpu.memory_space<hbm>> -> memref<512xf32, #tpu.memory_space<hbm>>
      %dma_start3A_143 = tpu.memref_slice %arg4[%add3A_124] : memref<98304xf32, #tpu.memory_space<hbm>> -> memref<512xf32, #tpu.memory_space<hbm>>
      %dma_start3A_144 = arith.constant 0 : i32
      %dma_start3A_145 = tpu.memref_slice %arg6[%run_scoped3A_125, %dma_start3A_144] : memref<6x512xf32, #tpu.memory_space<vmem>> -> memref<1x512xf32, #tpu.memory_space<vmem>>
      %dma_start3A_146 = tpu.memref_squeeze %dma_start3A_145 : memref<1x512xf32, #tpu.memory_space<vmem>> -> memref<512xf32, #tpu.memory_space<vmem>>
      tpu.enqueue_dma source(%dma_start3A_146 : memref<512xf32, #tpu.memory_space<vmem>>) target(%dma_start3A_143 : memref<512xf32, #tpu.memory_space<hbm>>) target_semaphore(%run_scoped3A_138 : memref<!tpu.dma_semaphore, #tpu.memory_space<semaphore_mem>>)
      %dma_wait3A_147 = arith.constant 0 : i32
      %dma_wait3A_148 = tpu.memref_slice %arg6[%run_scoped3A_125, %dma_wait3A_147] : memref<6x512xf32, #tpu.memory_space<vmem>> -> memref<1x512xf32, #tpu.memory_space<vmem>>
      %dma_wait3A_149 = tpu.memref_squeeze %dma_wait3A_148 : memref<1x512xf32, #tpu.memory_space<vmem>> -> memref<512xf32, #tpu.memory_space<vmem>>
      %dma_wait3A_150 = tpu.memref_slice %arg4[%add3A_124] : memref<98304xf32, #tpu.memory_space<hbm>> -> memref<512xf32, #tpu.memory_space<hbm>>
      %dma_wait3A_151 = tpu.memref_slice %arg4[%add3A_124] : memref<98304xf32, #tpu.memory_space<hbm>> -> memref<512xf32, #tpu.memory_space<hbm>>
      %dma_wait3A_152 = arith.constant 0 : i32
      %dma_wait3A_153 = tpu.memref_slice %arg6[%run_scoped3A_125, %dma_wait3A_152] : memref<6x512xf32, #tpu.memory_space<vmem>> -> memref<1x512xf32, #tpu.memory_space<vmem>>
      %dma_wait3A_154 = tpu.memref_squeeze %dma_wait3A_153 : memref<1x512xf32, #tpu.memory_space<vmem>> -> memref<512xf32, #tpu.memory_space<vmem>>
      tpu.wait_dma2 semaphore(%run_scoped3A_138 : memref<!tpu.dma_semaphore, #tpu.memory_space<semaphore_mem>>) src(%dma_wait3A_154 : memref<512xf32, #tpu.memory_space<vmem>>) dst(%dma_wait3A_151 : memref<512xf32, #tpu.memory_space<hbm>>)
      tpu.yield
    }) : () -> ()
    %add3A_126 = arith.constant 32768 : i32
    %add3A_127 = arith.addi %add3A_126, %mul3A_2 : i32
    %run_scoped3A_128 = arith.constant 2 : i32
    "tpu.region"() ({
      %run_scoped3A_138 = tpu.sem_alloc : memref<!tpu.dma_semaphore, #tpu.memory_space<semaphore_mem>>
      %dma_start3A_139 = arith.constant 0 : i32
      %dma_start3A_140 = tpu.memref_slice %arg6[%run_scoped3A_128, %dma_start3A_139] : memref<6x512xf32, #tpu.memory_space<vmem>> -> memref<1x512xf32, #tpu.memory_space<vmem>>
      %dma_start3A_141 = tpu.memref_squeeze %dma_start3A_140 : memref<1x512xf32, #tpu.memory_space<vmem>> -> memref<512xf32, #tpu.memory_space<vmem>>
      %dma_start3A_142 = tpu.memref_slice %arg4[%add3A_127] : memref<98304xf32, #tpu.memory_space<hbm>> -> memref<512xf32, #tpu.memory_space<hbm>>
      %dma_start3A_143 = tpu.memref_slice %arg4[%add3A_127] : memref<98304xf32, #tpu.memory_space<hbm>> -> memref<512xf32, #tpu.memory_space<hbm>>
      %dma_start3A_144 = arith.constant 0 : i32
      %dma_start3A_145 = tpu.memref_slice %arg6[%run_scoped3A_128, %dma_start3A_144] : memref<6x512xf32, #tpu.memory_space<vmem>> -> memref<1x512xf32, #tpu.memory_space<vmem>>
      %dma_start3A_146 = tpu.memref_squeeze %dma_start3A_145 : memref<1x512xf32, #tpu.memory_space<vmem>> -> memref<512xf32, #tpu.memory_space<vmem>>
      tpu.enqueue_dma source(%dma_start3A_146 : memref<512xf32, #tpu.memory_space<vmem>>) target(%dma_start3A_143 : memref<512xf32, #tpu.memory_space<hbm>>) target_semaphore(%run_scoped3A_138 : memref<!tpu.dma_semaphore, #tpu.memory_space<semaphore_mem>>)
      %dma_wait3A_147 = arith.constant 0 : i32
      %dma_wait3A_148 = tpu.memref_slice %arg6[%run_scoped3A_128, %dma_wait3A_147] : memref<6x512xf32, #tpu.memory_space<vmem>> -> memref<1x512xf32, #tpu.memory_space<vmem>>
      %dma_wait3A_149 = tpu.memref_squeeze %dma_wait3A_148 : memref<1x512xf32, #tpu.memory_space<vmem>> -> memref<512xf32, #tpu.memory_space<vmem>>
      %dma_wait3A_150 = tpu.memref_slice %arg4[%add3A_127] : memref<98304xf32, #tpu.memory_space<hbm>> -> memref<512xf32, #tpu.memory_space<hbm>>
      %dma_wait3A_151 = tpu.memref_slice %arg4[%add3A_127] : memref<98304xf32, #tpu.memory_space<hbm>> -> memref<512xf32, #tpu.memory_space<hbm>>
      %dma_wait3A_152 = arith.constant 0 : i32
      %dma_wait3A_153 = tpu.memref_slice %arg6[%run_scoped3A_128, %dma_wait3A_152] : memref<6x512xf32, #tpu.memory_space<vmem>> -> memref<1x512xf32, #tpu.memory_space<vmem>>
      %dma_wait3A_154 = tpu.memref_squeeze %dma_wait3A_153 : memref<1x512xf32, #tpu.memory_space<vmem>> -> memref<512xf32, #tpu.memory_space<vmem>>
      tpu.wait_dma2 semaphore(%run_scoped3A_138 : memref<!tpu.dma_semaphore, #tpu.memory_space<semaphore_mem>>) src(%dma_wait3A_154 : memref<512xf32, #tpu.memory_space<vmem>>) dst(%dma_wait3A_151 : memref<512xf32, #tpu.memory_space<hbm>>)
      tpu.yield
    }) : () -> ()
    %add3A_129 = arith.constant 49152 : i32
    %add3A_130 = arith.addi %add3A_129, %mul3A_2 : i32
    %run_scoped3A_131 = arith.constant 3 : i32
    "tpu.region"() ({
      %run_scoped3A_138 = tpu.sem_alloc : memref<!tpu.dma_semaphore, #tpu.memory_space<semaphore_mem>>
      %dma_start3A_139 = arith.constant 0 : i32
      %dma_start3A_140 = tpu.memref_slice %arg6[%run_scoped3A_131, %dma_start3A_139] : memref<6x512xf32, #tpu.memory_space<vmem>> -> memref<1x512xf32, #tpu.memory_space<vmem>>
      %dma_start3A_141 = tpu.memref_squeeze %dma_start3A_140 : memref<1x512xf32, #tpu.memory_space<vmem>> -> memref<512xf32, #tpu.memory_space<vmem>>
      %dma_start3A_142 = tpu.memref_slice %arg4[%add3A_130] : memref<98304xf32, #tpu.memory_space<hbm>> -> memref<512xf32, #tpu.memory_space<hbm>>
      %dma_start3A_143 = tpu.memref_slice %arg4[%add3A_130] : memref<98304xf32, #tpu.memory_space<hbm>> -> memref<512xf32, #tpu.memory_space<hbm>>
      %dma_start3A_144 = arith.constant 0 : i32
      %dma_start3A_145 = tpu.memref_slice %arg6[%run_scoped3A_131, %dma_start3A_144] : memref<6x512xf32, #tpu.memory_space<vmem>> -> memref<1x512xf32, #tpu.memory_space<vmem>>
      %dma_start3A_146 = tpu.memref_squeeze %dma_start3A_145 : memref<1x512xf32, #tpu.memory_space<vmem>> -> memref<512xf32, #tpu.memory_space<vmem>>
      tpu.enqueue_dma source(%dma_start3A_146 : memref<512xf32, #tpu.memory_space<vmem>>) target(%dma_start3A_143 : memref<512xf32, #tpu.memory_space<hbm>>) target_semaphore(%run_scoped3A_138 : memref<!tpu.dma_semaphore, #tpu.memory_space<semaphore_mem>>)
      %dma_wait3A_147 = arith.constant 0 : i32
      %dma_wait3A_148 = tpu.memref_slice %arg6[%run_scoped3A_131, %dma_wait3A_147] : memref<6x512xf32, #tpu.memory_space<vmem>> -> memref<1x512xf32, #tpu.memory_space<vmem>>
      %dma_wait3A_149 = tpu.memref_squeeze %dma_wait3A_148 : memref<1x512xf32, #tpu.memory_space<vmem>> -> memref<512xf32, #tpu.memory_space<vmem>>
      %dma_wait3A_150 = tpu.memref_slice %arg4[%add3A_130] : memref<98304xf32, #tpu.memory_space<hbm>> -> memref<512xf32, #tpu.memory_space<hbm>>
      %dma_wait3A_151 = tpu.memref_slice %arg4[%add3A_130] : memref<98304xf32, #tpu.memory_space<hbm>> -> memref<512xf32, #tpu.memory_space<hbm>>
      %dma_wait3A_152 = arith.constant 0 : i32
      %dma_wait3A_153 = tpu.memref_slice %arg6[%run_scoped3A_131, %dma_wait3A_152] : memref<6x512xf32, #tpu.memory_space<vmem>> -> memref<1x512xf32, #tpu.memory_space<vmem>>
      %dma_wait3A_154 = tpu.memref_squeeze %dma_wait3A_153 : memref<1x512xf32, #tpu.memory_space<vmem>> -> memref<512xf32, #tpu.memory_space<vmem>>
      tpu.wait_dma2 semaphore(%run_scoped3A_138 : memref<!tpu.dma_semaphore, #tpu.memory_space<semaphore_mem>>) src(%dma_wait3A_154 : memref<512xf32, #tpu.memory_space<vmem>>) dst(%dma_wait3A_151 : memref<512xf32, #tpu.memory_space<hbm>>)
      tpu.yield
    }) : () -> ()
    %add3A_132 = arith.constant 65536 : i32
    %add3A_133 = arith.addi %add3A_132, %mul3A_2 : i32
    %run_scoped3A_134 = arith.constant 4 : i32
    "tpu.region"() ({
      %run_scoped3A_138 = tpu.sem_alloc : memref<!tpu.dma_semaphore, #tpu.memory_space<semaphore_mem>>
      %dma_start3A_139 = arith.constant 0 : i32
      %dma_start3A_140 = tpu.memref_slice %arg6[%run_scoped3A_134, %dma_start3A_139] : memref<6x512xf32, #tpu.memory_space<vmem>> -> memref<1x512xf32, #tpu.memory_space<vmem>>
      %dma_start3A_141 = tpu.memref_squeeze %dma_start3A_140 : memref<1x512xf32, #tpu.memory_space<vmem>> -> memref<512xf32, #tpu.memory_space<vmem>>
      %dma_start3A_142 = tpu.memref_slice %arg4[%add3A_133] : memref<98304xf32, #tpu.memory_space<hbm>> -> memref<512xf32, #tpu.memory_space<hbm>>
      %dma_start3A_143 = tpu.memref_slice %arg4[%add3A_133] : memref<98304xf32, #tpu.memory_space<hbm>> -> memref<512xf32, #tpu.memory_space<hbm>>
      %dma_start3A_144 = arith.constant 0 : i32
      %dma_start3A_145 = tpu.memref_slice %arg6[%run_scoped3A_134, %dma_start3A_144] : memref<6x512xf32, #tpu.memory_space<vmem>> -> memref<1x512xf32, #tpu.memory_space<vmem>>
      %dma_start3A_146 = tpu.memref_squeeze %dma_start3A_145 : memref<1x512xf32, #tpu.memory_space<vmem>> -> memref<512xf32, #tpu.memory_space<vmem>>
      tpu.enqueue_dma source(%dma_start3A_146 : memref<512xf32, #tpu.memory_space<vmem>>) target(%dma_start3A_143 : memref<512xf32, #tpu.memory_space<hbm>>) target_semaphore(%run_scoped3A_138 : memref<!tpu.dma_semaphore, #tpu.memory_space<semaphore_mem>>)
      %dma_wait3A_147 = arith.constant 0 : i32
      %dma_wait3A_148 = tpu.memref_slice %arg6[%run_scoped3A_134, %dma_wait3A_147] : memref<6x512xf32, #tpu.memory_space<vmem>> -> memref<1x512xf32, #tpu.memory_space<vmem>>
      %dma_wait3A_149 = tpu.memref_squeeze %dma_wait3A_148 : memref<1x512xf32, #tpu.memory_space<vmem>> -> memref<512xf32, #tpu.memory_space<vmem>>
      %dma_wait3A_150 = tpu.memref_slice %arg4[%add3A_133] : memref<98304xf32, #tpu.memory_space<hbm>> -> memref<512xf32, #tpu.memory_space<hbm>>
      %dma_wait3A_151 = tpu.memref_slice %arg4[%add3A_133] : memref<98304xf32, #tpu.memory_space<hbm>> -> memref<512xf32, #tpu.memory_space<hbm>>
      %dma_wait3A_152 = arith.constant 0 : i32
      %dma_wait3A_153 = tpu.memref_slice %arg6[%run_scoped3A_134, %dma_wait3A_152] : memref<6x512xf32, #tpu.memory_space<vmem>> -> memref<1x512xf32, #tpu.memory_space<vmem>>
      %dma_wait3A_154 = tpu.memref_squeeze %dma_wait3A_153 : memref<1x512xf32, #tpu.memory_space<vmem>> -> memref<512xf32, #tpu.memory_space<vmem>>
      tpu.wait_dma2 semaphore(%run_scoped3A_138 : memref<!tpu.dma_semaphore, #tpu.memory_space<semaphore_mem>>) src(%dma_wait3A_154 : memref<512xf32, #tpu.memory_space<vmem>>) dst(%dma_wait3A_151 : memref<512xf32, #tpu.memory_space<hbm>>)
      tpu.yield
    }) : () -> ()
    %add3A_135 = arith.constant 81920 : i32
    %add3A_136 = arith.addi %add3A_135, %mul3A_2 : i32
    %run_scoped3A_137 = arith.constant 5 : i32
    "tpu.region"() ({
      %run_scoped3A_138 = tpu.sem_alloc : memref<!tpu.dma_semaphore, #tpu.memory_space<semaphore_mem>>
      %dma_start3A_139 = arith.constant 0 : i32
      %dma_start3A_140 = tpu.memref_slice %arg6[%run_scoped3A_137, %dma_start3A_139] : memref<6x512xf32, #tpu.memory_space<vmem>> -> memref<1x512xf32, #tpu.memory_space<vmem>>
      %dma_start3A_141 = tpu.memref_squeeze %dma_start3A_140 : memref<1x512xf32, #tpu.memory_space<vmem>> -> memref<512xf32, #tpu.memory_space<vmem>>
      %dma_start3A_142 = tpu.memref_slice %arg4[%add3A_136] : memref<98304xf32, #tpu.memory_space<hbm>> -> memref<512xf32, #tpu.memory_space<hbm>>
      %dma_start3A_143 = tpu.memref_slice %arg4[%add3A_136] : memref<98304xf32, #tpu.memory_space<hbm>> -> memref<512xf32, #tpu.memory_space<hbm>>
      %dma_start3A_144 = arith.constant 0 : i32
      %dma_start3A_145 = tpu.memref_slice %arg6[%run_scoped3A_137, %dma_start3A_144] : memref<6x512xf32, #tpu.memory_space<vmem>> -> memref<1x512xf32, #tpu.memory_space<vmem>>
      %dma_start3A_146 = tpu.memref_squeeze %dma_start3A_145 : memref<1x512xf32, #tpu.memory_space<vmem>> -> memref<512xf32, #tpu.memory_space<vmem>>
      tpu.enqueue_dma source(%dma_start3A_146 : memref<512xf32, #tpu.memory_space<vmem>>) target(%dma_start3A_143 : memref<512xf32, #tpu.memory_space<hbm>>) target_semaphore(%run_scoped3A_138 : memref<!tpu.dma_semaphore, #tpu.memory_space<semaphore_mem>>)
      %dma_wait3A_147 = arith.constant 0 : i32
      %dma_wait3A_148 = tpu.memref_slice %arg6[%run_scoped3A_137, %dma_wait3A_147] : memref<6x512xf32, #tpu.memory_space<vmem>> -> memref<1x512xf32, #tpu.memory_space<vmem>>
      %dma_wait3A_149 = tpu.memref_squeeze %dma_wait3A_148 : memref<1x512xf32, #tpu.memory_space<vmem>> -> memref<512xf32, #tpu.memory_space<vmem>>
      %dma_wait3A_150 = tpu.memref_slice %arg4[%add3A_136] : memref<98304xf32, #tpu.memory_space<hbm>> -> memref<512xf32, #tpu.memory_space<hbm>>
      %dma_wait3A_151 = tpu.memref_slice %arg4[%add3A_136] : memref<98304xf32, #tpu.memory_space<hbm>> -> memref<512xf32, #tpu.memory_space<hbm>>
      %dma_wait3A_152 = arith.constant 0 : i32
      %dma_wait3A_153 = tpu.memref_slice %arg6[%run_scoped3A_137, %dma_wait3A_152] : memref<6x512xf32, #tpu.memory_space<vmem>> -> memref<1x512xf32, #tpu.memory_space<vmem>>
      %dma_wait3A_154 = tpu.memref_squeeze %dma_wait3A_153 : memref<1x512xf32, #tpu.memory_space<vmem>> -> memref<512xf32, #tpu.memory_space<vmem>>
      tpu.wait_dma2 semaphore(%run_scoped3A_138 : memref<!tpu.dma_semaphore, #tpu.memory_space<semaphore_mem>>) src(%dma_wait3A_154 : memref<512xf32, #tpu.memory_space<vmem>>) dst(%dma_wait3A_151 : memref<512xf32, #tpu.memory_space<hbm>>)
      tpu.yield
    }) : () -> ()
    return
  }
}

</mosaic_0001>

<sc_bundles>
// kernel: kernel.3.cloned.1.call-start
scs
__scs_entry_jumppad:
0x0: {  	(pc) =	sbr.rel $0x88, $3  }
0x1: {  	(tag) =	ssettag $0x0;
	lr =	simm.s32 $0x1  }
0x2: {  	[smem:$0x3F9E] =	sst lr;
	_ =	strace $0xD0000000  }
0x3: {  	_ = 	snop  }
0x4: {  	_ = 	snop  }
0x5: {  	_ = 	snop  }
0x6: {  	_ = 	snop  }
0x7: {  	_ = 	snop  }
__scs_overlays_trampoline_lowered:
0x8: {  	[smem:$0x3FAD] =	sst s0  }
0x9: {  	[smem:$0x3FAE] =	sst s1  }
0xa: {  	[smem:$0x3FAF] =	sst s2  }
0xb: {  	[smem:$0x3FB0] =	sst s3  }
0xc: {  	[smem:$0x3FB1] =	sst s4  }
0xd: {  	[smem:$0x3FB2] =	sst s5  }
0xe: {  	[smem:$0x3FB3] =	sst s6  }
0xf: {  	[smem:$0x3FB4] =	sst s7  }
0x10: {  	[smem:$0x3FB5] =	sst s8  }
0x11: {  	[smem:$0x3FB6] =	sst s9;
	s0 =	simm.s32 @!p0 $0x0  }
0x12: {  	s1 =	sld [smem:$0x3F9C];
	s0 =	simm.s32 @p0 $0x1  }
0x13: {  	[smem:$0x3FB7] =	sst s0;
	s0 =	simm.s32 @!p1 $0x0  }
0x14: {  	s2 =	sld [smem:$0x3F9B];
	s0 =	simm.s32 @p1 $0x1  }
0x15: {  	[smem:$0x3FB8] =	sst s0;
	s0 =	simm.s32 @!p2 $0x0  }
0x16: {  	s3 =	sld [smem:$0x3FDB];
	s0 =	simm.s32 @p2 $0x1  }
0x17: {  	s4 =	simm.s32 $0x1BF5;
	[smem:$0x3FBA] =	sst s0  }
0x18: {  	s0 =	sld [smem:$0x3F9D];
	_ =	swait.ge [sflag:s4], $0x0  }
0x19: {  	s7 =	sld [smem:$0x3F9E]  }
0x1a: {  	s8 =	sadd.s32 $0xFFFFE003, lr  }
0x1b: {  	s9 =	sadd.s32 $0xFFFFFEF7, lr;
	s5 =	simm.s32 $0xFFFFFFFF;
	p2 =	slt.u32 s8, $0xFFFFF086  }
0x1c: {  	p1 =	slt.u32 s9, $0xF7A;
	s5 =	simm.s32 @!p2 $0x0  }
0x1d: {  	s5 =	simm.s32 @p1 $0x1;
	p0 =	seq.s32 s7, s2  }
0x1e: {  	s7 =	smul.u32 @!p0 $0xF7A, s2;
	p2 =	seq.s32 @!p0 s5, $0x0  }
0x1f: {  	s9 =	smul.u32 $0xF7A, s1;
	s8 =	simm.s32 @!p0 $0x1BF5;
	p2 =	por !p2, p0  }
0x20: {  	[sflag:s8] =	ssyncset.s32 @!p0 $0xFFFFF086;
	s6 =	sadd.s32 @!p0 s3, s7;
	s7 =	simm.s32 @!p0 $0x108  }
0x21: {  	s3 =	sadd.s32 s3, s9;
	s6 =	sadd.s32 @!p0 $0x88, s6;
	s7 =	simm.s32 @p2 $0x1082  }
0x22: {  	[simem:s7], [sflag:s8] =	dma.local @!p0 [hbm:s6], $0xF7A  }
0x23: {  	s9 =	sor.u32 $0xD0000000, s2;
	s6 =	simm.s32 $0x108;
	_ =	swait.ge @!p0 [sflag:s8], $0x0  }
0x24: {  	s3 =	sadd.s32 $0x88, s3;
	s6 =	simm.s32 @!p1 $0x1082;
	[sflag:s4] =	ssyncset.s32 $0xFFFFF086  }
0x25: {  	[simem:s6], [sflag:s4] =	dma.local [hbm:s3], $0xF7A  }
0x26: {  	[smem:$0x3F9E] =	sst s1;
	(tag) =	ssettag s2;
	_ =	strace s9  }
0x27: {  	s1 =	sld [smem:$0x3FAE]  }
0x28: {  	s2 =	sld [smem:$0x3FAF]  }
0x29: {  	s4 =	sld [smem:$0x3FB1]  }
0x2a: {  	p0 =	seq.s32 s5, $0x0;
	s5 =	sld [smem:$0x3FB2]  }
0x2b: {  	s6 =	sld [smem:$0x3FB3]  }
0x2c: {  	s7 =	sld [smem:$0x3FB4]  }
0x2d: {  	s3 =	simm.s32 $0x108;
	s8 =	sld [smem:$0x3FB5]  }
0x2e: {  	s3 =	simm.s32 @!p0 $0x1082;
	s9 =	sld [smem:$0x3FB6]  }
0x2f: {  	lr =	sadd.s32 s0, s3;
	s0 =	sld [smem:$0x3FAD]  }
0x30: {  	s3 =	sld [smem:$0x3FB0]  }
0x31: {  	[smem:$0x3FB9] =	sst s10  }
0x32: {  	s10 =	sld [smem:$0x3FB7];
	_ =	sdelay $0x3  }
0x33: {  	p0 =	seq.s32 s10, $0x1;
	s10 =	sld [smem:$0x3FB9];
	_ =	sdelay $0x3  }
0x34: {  	[smem:$0x3FB9] =	sst s10  }
0x35: {  	s10 =	sld [smem:$0x3FB8];
	_ =	sdelay $0x3  }
0x36: {  	p1 =	seq.s32 s10, $0x1;
	s10 =	sld [smem:$0x3FB9];
	_ =	sdelay $0x3  }
0x37: {  	[smem:$0x3FB9] =	sst s10  }
0x38: {  	s10 =	sld [smem:$0x3FBA]  }
0x39: {  	_ = 	snop;
	(pc) =	sbr.ind lr, $3  }
0x3a: {  	_ = 	snop  }
0x3b: {  	_ = 	snop  }
0x3c: {  	p2 =	seq.s32 s10, $0x1;
	s10 =	sld [smem:$0x3FB9]  }
0x3d: {  	_ =	shalt  }
0x3e: {  	_ =	shalt  }
0x3f: {  	_ =	shalt  }
0x40: {  	_ =	shalt  }
0x41: {  	_ =	shalt  }
0x42: {  	_ =	shalt  }
0x43: {  	_ =	shalt  }
0x44: {  	_ =	shalt  }
0x45: {  	_ =	shalt  }
0x46: {  	_ =	shalt  }
0x47: {  	_ =	shalt  }
0x48: {  	_ =	shalt  }
0x49: {  	_ =	shalt  }
0x4a: {  	_ =	shalt  }
0x4b: {  	_ =	shalt  }
0x4c: {  	_ =	shalt  }
0x4d: {  	_ =	shalt  }
0x4e: {  	_ =	shalt  }
0x4f: {  	_ =	shalt  }
0x50: {  	_ =	shalt  }
0x51: {  	_ =	shalt  }
0x52: {  	_ =	shalt  }
0x53: {  	_ =	shalt  }
0x54: {  	_ =	shalt  }
0x55: {  	_ =	shalt  }
0x56: {  	_ =	shalt  }
0x57: {  	_ =	shalt  }
0x58: {  	_ =	shalt  }
0x59: {  	_ =	shalt  }
0x5a: {  	_ =	shalt  }
0x5b: {  	_ =	shalt  }
0x5c: {  	_ =	shalt  }
0x5d: {  	_ =	shalt  }
0x5e: {  	_ =	shalt  }
0x5f: {  	_ =	shalt  }
0x60: {  	_ =	shalt  }
0x61: {  	_ =	shalt  }
0x62: {  	_ =	shalt  }
0x63: {  	_ =	shalt  }
0x64: {  	_ =	shalt  }
0x65: {  	_ =	shalt  }
0x66: {  	_ =	shalt  }
0x67: {  	_ =	shalt  }
0x68: {  	_ =	shalt  }
0x69: {  	_ =	shalt  }
0x6a: {  	_ =	shalt  }
0x6b: {  	_ =	shalt  }
0x6c: {  	_ =	shalt  }
0x6d: {  	_ =	shalt  }
0x6e: {  	_ =	shalt  }
0x6f: {  	_ =	shalt  }
0x70: {  	_ =	shalt  }
0x71: {  	_ =	shalt  }
0x72: {  	_ =	shalt  }
0x73: {  	_ =	shalt  }
0x74: {  	_ =	shalt  }
0x75: {  	_ =	shalt  }
0x76: {  	_ =	shalt  }
0x77: {  	_ =	shalt  }
0x78: {  	_ =	shalt  }
0x79: {  	_ =	shalt  }
0x7a: {  	_ =	shalt  }
0x7b: {  	_ =	shalt  }
0x7c: {  	_ =	shalt  }
0x7d: {  	_ =	shalt  }
0x7e: {  	_ =	shalt  }
0x7f: {  	_ =	shalt  }
0x80: {  	_ =	shalt  }
0x81: {  	_ =	shalt  }
0x82: {  	_ =	shalt  }
0x83: {  	_ =	shalt  }
0x84: {  	_ =	shalt  }
0x85: {  	_ =	shalt  }
0x86: {  	_ =	shalt  }
0x87: {  	_ =	shalt  }
.Lfunc_end0:
.L_simem_size_0:
called_computation_lowered:
.L_overlay_start_0:
0x88: {  	s2 =	sld [smem:$0x3FD9]  }
0x89: {  	s3 =	sld [smem:$0x3FFE];
	_ =	sdelay $0x1  }
0x8a: {  	s1 =	srdreg.scid  }
0x8b: {  	s0 =	sand.u32 $0x1, s1  }
0x8c: {  	s17 =	sshll.u32 s0, $0xA;
	s2 =	sadd.s32 s3, s2  }
0x8d: {  	s2 =	sadd.s32 s2, s17  }
0x8e: {  	[smem:$0x3FC5] =	sst s2  }
0x8f: {  	_ = 	snop  }
0x90: {  	s2 =	sld [smem:$0x3FC9];
	(tm) =	ssettm $0x1  }
0x91: {  	s18 =	sld [smem:$0x3FFB];
	_ =	sdelay $0x3  }
0x92: {  	_ =	strace s18  }
0x93: {  	s3 =	sld [smem:$0x3FFC];
	_ =	sdelay $0x3  }
0x94: {  	_ =	strace s3  }
0x95: {  	s3 =	sld [smem:$0x3FFD];
	_ =	sdelay $0x3  }
0x96: {  	_ =	strace s3  }
0x97: {  	_ =	strace $0x8FFFFFFF  }
0x98: {  	s19 =	sld [smem:$0x3FDB];
	_ =	sdelay $0x1  }
0x99: {  	s4 =	simm.s32 $_scs_section_size  }
0x9a: {  	s5 =	simm.s32 $_size__tile_overlayer_lowered;
	s6 =	simm.s32 $_tile_overlayer_lowered  }
0x9b: {  	s22 =	simm.s32 $0x1BFF;
	s21 =	sshll.u32 s6, $0x1;
	s3 =	sadd.s32 s4, s19  }
0x9c: {  	s7 =	simm.s32 $0x0;
	s20 =	sshll.u32 s5, $0x1;
	s5 =	sadd.s32 s21, s3  }
0x9d: {  	[timem:s7], [sflag:s22] =	dma.local [hbm:s5], s20  }
0x9e: {  	_ =	swait.ge [sflag:s22], s20  }
0x9f: {  	s4 =	ssub.s32 $0x0, s20;
	[sflag:s22] =	ssyncset.done $0x0  }
0xa0: {  	[sflag:s22] =	ssyncadd.s32 s4;
	_ =	sdelay $0x1  }
0xa1: {  	s23 =	simm.s32 $0x1B8B  }
0xa2: {  	_ =	swait.ge [sflag:s23], $0x1  }
0xa3: {  	[sflag:s23] =	ssyncset.done $0x0  }
0xa4: {  	s25 =	simm.s32 $0x1B8E;
	s24 =	sld [smem:$0x3FFE];
	[sflag:s23] =	ssyncadd.s32 $0xFFFFFFFF  }
0xa5: {  	s26 =	simm.s32 $execute0_lowered;
	[smem:$0x3FD2] =	sst s25  }
0xa6: {  	s5 =	sshll.u32 s26, $0x1;
	_ =	strace $0x80000046;
	[dreg:$0x1] =	wrdreg $0xFFFFFFFF  }
0xa7: {  	s28 =	simm.s32 $_size_execute0_lowered;
	s3 =	sadd.s32 s3, s5;
	[dreg:$0x0] =	wrdreg $0x0  }
0xa8: {  	s5 =	sshll.u32 s28, $0x1;
	[dreg:$0x2] =	wrdreg s3  }
0xa9: {  	[dreg:$0x3] =	wrdreg s5  }
0xaa: {  	[dreg:$0x4] =	wrdreg $0xC0  }
0xab: {  	_ =	task [dreg:s7], $0x5FFFF  }
0xac: {  	[dreg:$0x1] =	wrdreg $0xFFFFFFFF  }
0xad: {  	[dreg:$0x0] =	wrdreg $0x60  }
0xae: {  	[dreg:$0x2] =	wrdreg s2  }
0xaf: {  	[dreg:$0x3] =	wrdreg s24  }
0xb0: {  	[dreg:$0x4] =	wrdreg $0x9  }
0xb1: {  	_ =	task.clear_ibuf [dreg:s7], $0x5FFFF;
	_ =	strace $0x90000046  }
0xb2: {  	s29 =	simm.s32 $0x9;
	_ =	strace $0x80000048  }
0xb3: {  	_ =	swait.ge [sflag:s29], $0x1  }
0xb4: {  	[sflag:s29] =	ssyncadd.s32 $0xFFFFFFFF  }
0xb5: {  	_ =	strace $0x90000048  }
0xb6: {  	_ =	sfence  }
0xb7: {  	s30 =	sld [smem:$0x0];
	_ =	sdelay $0x2  }
0xb8: {  	s31 =	sshll.u32 s1, $0xD;
	s1 =	sshrl.u32 s1, $0x2  }
0xb9: {  	s3 =	sand.u32 $0x4000, s31;
	s1 =	sadd.s32 s1, s30  }
0xba: {  	s0 =	sor.u32 s3, s0;
	s1 =	sshll.u32 s1, $0x11  }
0xbb: {  	s0 =	sor.u32 s1, s0  }
0xbc: {  	s0 =	sadd.s32 $0x8F2B, s0  }
0xbd: {  	[sflag:s0] =	ssyncadd.remote.s32 $0x1  }
0xbe: {  	_ =	sfence.sel $0xFFFF  }
0xbf: {  	[dreg:$0x0] =	wrdreg $0xFFFFFFFF;
	(pc) =	sbr.abs _section_cstart, $3  }
0xc0: {  	[dreg:$0x1] =	wrdreg $0xFFFFFFFF  }
0xc1: {  	_ =	task.clear_ibuf [dreg:s7], $0x2FFFF;
	_ =	strace $0x9FFFFFFF  }
0xc2: {  	(tm) =	ssettm $0x7FFFFFFF  }
0xc3: {  	_ =	shalt  }
tec
execute0_lowered:
.L_overlay_start_1:
0x0: {  	(tag) =	ssettag $0x1  }
0x1: {  	s3 =	rddreg [dreg:$0x0]  }
0x2: {  	s18 =	rddreg [dreg:$0x1];
	s2 =	srdreg.scid  }
0x3: {  	s0 =	rddreg [dreg:$0x2];
	s1 =	stileid.u32;
	s22 =	sand.u32 $0x1, s2  }
0x4: {  	s2 =	simm.s32 $0x0;
	s4 =	sshll.u32 s1, $0x7;
	s5 =	sshll.u32 s22, $0x6  }
0x5: {  	[smem:$0x7FF] =	sst s2;
	s19 =	sor.u32 s5, s4  }
0x6: {  	_ =	strace $0x80000047;
	s4 =	sadd.s32 s3, s19;
	s3 =	simm.s32 $0x2  }
0x7: {  	[tilespmem:s2], [sflag:$0x2] =	stream.linear.gather [hbm4b:s4+s2], $0x200, $0x38;
	[tilespmem:$0xE00] =	vst v63  }
0x8: {  	_ =	swait.ge [sflag:s3], $0x200  }
0x9: {  	[sflag:s3] =	ssyncset.done $0x0  }
0xa: {  	s6 =	simm.s32 $0x200;
	s5 =	sadd.s32 $0x400, s18;
	[sflag:s3] =	ssyncadd.s32 $0xFFFFFE00  }
0xb: {  	[tilespmem:s6], [sflag:$0x1] =	stream.indirect.gather [hbm4b:s5+s6], $0x1, s2, s6, $0xb8;
	[tilespmem:$0xE00] =	vst v63  }
0xc: {  	s8 =	simm.s32 $0x400;
	s7 =	sadd.s32 $0x34D4, s18  }
0xd: {  	[tilespmem:s8], [sflag:$0x1] =	stream.indirect.gather [hbm4b:s7+s6], $0x1, s2, s6, $0xb8;
	[tilespmem:$0xE00] =	vst v63  }
0xe: {  	s10 =	simm.s32 $0x600;
	s9 =	sadd.s32 $0x65A8, s18  }
0xf: {  	[tilespmem:s10], [sflag:$0x1] =	stream.indirect.gather [hbm4b:s9+s6], $0x1, s2, s6, $0xb8;
	[tilespmem:$0xE00] =	vst v63  }
0x10: {  	s12 =	simm.s32 $0x800;
	s11 =	sadd.s32 $0x967C, s18  }
0x11: {  	[tilespmem:s12], [sflag:$0x1] =	stream.indirect.gather [hbm4b:s11+s6], $0x1, s2, s6, $0xb8;
	[tilespmem:$0xE00] =	vst v63  }
0x12: {  	s14 =	simm.s32 $0xA00;
	s13 =	sadd.s32 $0xC750, s18  }
0x13: {  	[tilespmem:s14], [sflag:$0x1] =	stream.indirect.gather [hbm4b:s13+s6], $0x1, s2, s6, $0xb8;
	[tilespmem:$0xE00] =	vst v63  }
0x14: {  	s16 =	simm.s32 $0xC00;
	s17 =	simm.s32 $0x1;
	s15 =	sadd.s32 $0xF824, s18  }
0x15: {  	[tilespmem:s16], [sflag:$0x1] =	stream.indirect.gather [hbm4b:s15+s6], $0x1, s2, s6, $0xb8;
	[tilespmem:$0xE00] =	vst v63  }
0x16: {  	_ =	swait.ge [sflag:s17], $0x200  }
0x17: {  	[sflag:s17] =	ssyncset.done $0x0  }
0x18: {  	[sflag:s17] =	ssyncadd.s32 $0xFFFFFE00  }
0x19: {  	_ =	swait.ge [sflag:s17], $0x200  }
0x1a: {  	[sflag:s17] =	ssyncset.done $0x0  }
0x1b: {  	[sflag:s17] =	ssyncadd.s32 $0xFFFFFE00  }
0x1c: {  	_ =	swait.ge [sflag:s17], $0x200  }
0x1d: {  	[sflag:s17] =	ssyncset.done $0x0  }
0x1e: {  	[sflag:s17] =	ssyncadd.s32 $0xFFFFFE00  }
0x1f: {  	_ =	swait.ge [sflag:s17], $0x200  }
0x20: {  	[sflag:s17] =	ssyncset.done $0x0  }
0x21: {  	[sflag:s17] =	ssyncadd.s32 $0xFFFFFE00  }
0x22: {  	_ =	swait.ge [sflag:s17], $0x200  }
0x23: {  	[sflag:s17] =	ssyncset.done $0x0  }
0x24: {  	[sflag:s17] =	ssyncadd.s32 $0xFFFFFE00  }
0x25: {  	_ =	swait.ge [sflag:s17], $0x200  }
0x26: {  	s23 =	sadd.s32 s19, s18;
	[sflag:s17] =	ssyncset.done $0x0  }
0x27: {  	s18 =	sadd.s32 $0x12A00, s23;
	[sflag:s17] =	ssyncadd.s32 $0xFFFFFE00  }
0x28: {  	[hbm4b:s18+s2] =	stream.linear.scatter [tilespmem:s6], [sflag:$0x2], $0x200, $0x38;
	[tilespmem:$0xE00] =	vst v63  }
0x29: {  	_ =	swait.ge [sflag:s3], $0x200  }
0x2a: {  	[sflag:s3] =	ssyncset.done $0x0  }
0x2b: {  	s19 =	sadd.s32 $0x13200, s23;
	[sflag:s3] =	ssyncadd.s32 $0xFFFFFE00  }
0x2c: {  	[hbm4b:s19+s2] =	stream.linear.scatter [tilespmem:s8], [sflag:$0x2], $0x200, $0x38;
	[tilespmem:$0xE00] =	vst v63  }
0x2d: {  	_ =	swait.ge [sflag:s3], $0x200  }
0x2e: {  	[sflag:s3] =	ssyncset.done $0x0  }
0x2f: {  	s20 =	sadd.s32 $0x13A00, s23;
	[sflag:s3] =	ssyncadd.s32 $0xFFFFFE00  }
0x30: {  	[hbm4b:s20+s2] =	stream.linear.scatter [tilespmem:s10], [sflag:$0x2], $0x200, $0x38;
	[tilespmem:$0xE00] =	vst v63  }
0x31: {  	_ =	swait.ge [sflag:s3], $0x200  }
0x32: {  	[sflag:s3] =	ssyncset.done $0x0  }
0x33: {  	s24 =	ssub.s32 $0x2, s22;
	s21 =	sadd.s32 $0x14200, s23;
	[sflag:s3] =	ssyncadd.s32 $0xFFFFFE00  }
0x34: {  	[hbm4b:s21+s2] =	stream.linear.scatter [tilespmem:s12], [sflag:$0x2], $0x200, $0x38;
	[tilespmem:$0xE00] =	vst v63  }
0x35: {  	s25 =	sshrl.u32 s24, $0x1;
	_ =	swait.ge [sflag:s3], $0x200  }
0x36: {  	s24 =	ssub.s32 s24, s25;
	[sflag:s3] =	ssyncset.done $0x0  }
0x37: {  	s22 =	sadd.s32 $0x14A00, s23;
	s24 =	smax.u32 s24, $0x1;
	[sflag:s3] =	ssyncadd.s32 $0xFFFFFE00  }
0x38: {  	[hbm4b:s22+s2] =	stream.linear.scatter [tilespmem:s14], [sflag:$0x2], $0x200, $0x38;
	[tilespmem:$0xE00] =	vst v63  }
0x39: {  	p0 =	sne.s32 s24, $0x1;
	_ =	swait.ge [sflag:s3], $0x200  }
.Ltmp0:
0x3a: {  	[sflag:s3] =	ssyncset.done $0x0;
	(pc) =	sbr.rel @!p0 .LBB2_2-.Ltmp0, $4  }
0x3b: {  	s23 =	sadd.s32 $0x15200, s23;
	[sflag:s3] =	ssyncadd.s32 $0xFFFFFE00  }
0x3c: {  	[hbm4b:s23+s2] =	stream.linear.scatter [tilespmem:s16], [sflag:$0x2], $0x200, $0x38;
	[tilespmem:$0xE00] =	vst v63  }
0x3d: {  	_ =	swait.ge [sflag:s3], $0x200  }
0x3e: {  	s24 =	sadd.s32 $0xFFFFFFFF, s24;
	[sflag:s3] =	ssyncset.done $0x0  }
.LBB2_1:
0x3f: {  	p0 =	sne.s32 s24, $0x1;
	s24 =	sadd.s32 $0xFFFFFFFF, s24;
	[sflag:s3] =	ssyncadd.s32 $0xFFFFFE00  }
0x40: {  	[tilespmem:s2], [sflag:$0x2] =	stream.linear.gather [hbm4b:s4+s2], $0x200, $0x38;
	[tilespmem:$0xE00] =	vst v63  }
0x41: {  	_ =	swait.ge [sflag:s3], $0x200  }
0x42: {  	[sflag:s3] =	ssyncset.done $0x0  }
0x43: {  	[sflag:s3] =	ssyncadd.s32 $0xFFFFFE00  }
0x44: {  	[tilespmem:s6], [sflag:$0x1] =	stream.indirect.gather [hbm4b:s5+s6], $0x1, s2, s6, $0xb8;
	[tilespmem:$0xE00] =	vst v63  }
0x45: {  	_ = 	snop  }
0x46: {  	[tilespmem:s8], [sflag:$0x1] =	stream.indirect.gather [hbm4b:s7+s6], $0x1, s2, s6, $0xb8;
	[tilespmem:$0xE00] =	vst v63  }
0x47: {  	_ = 	snop  }
0x48: {  	[tilespmem:s10], [sflag:$0x1] =	stream.indirect.gather [hbm4b:s9+s6], $0x1, s2, s6, $0xb8;
	[tilespmem:$0xE00] =	vst v63  }
0x49: {  	_ = 	snop  }
0x4a: {  	[tilespmem:s12], [sflag:$0x1] =	stream.indirect.gather [hbm4b:s11+s6], $0x1, s2, s6, $0xb8;
	[tilespmem:$0xE00] =	vst v63  }
0x4b: {  	_ = 	snop  }
0x4c: {  	[tilespmem:s14], [sflag:$0x1] =	stream.indirect.gather [hbm4b:s13+s6], $0x1, s2, s6, $0xb8;
	[tilespmem:$0xE00] =	vst v63  }
0x4d: {  	_ = 	snop  }
0x4e: {  	[tilespmem:s16], [sflag:$0x1] =	stream.indirect.gather [hbm4b:s15+s6], $0x1, s2, s6, $0xb8;
	[tilespmem:$0xE00] =	vst v63  }
0x4f: {  	_ =	swait.ge [sflag:s17], $0x200  }
0x50: {  	[sflag:s17] =	ssyncset.done $0x0  }
0x51: {  	[sflag:s17] =	ssyncadd.s32 $0xFFFFFE00  }
0x52: {  	_ =	swait.ge [sflag:s17], $0x200  }
0x53: {  	[sflag:s17] =	ssyncset.done $0x0  }
0x54: {  	[sflag:s17] =	ssyncadd.s32 $0xFFFFFE00  }
0x55: {  	_ =	swait.ge [sflag:s17], $0x200  }
0x56: {  	[sflag:s17] =	ssyncset.done $0x0  }
0x57: {  	[sflag:s17] =	ssyncadd.s32 $0xFFFFFE00  }
0x58: {  	_ =	swait.ge [sflag:s17], $0x200  }
0x59: {  	[sflag:s17] =	ssyncset.done $0x0  }
0x5a: {  	[sflag:s17] =	ssyncadd.s32 $0xFFFFFE00  }
0x5b: {  	_ =	swait.ge [sflag:s17], $0x200  }
0x5c: {  	[sflag:s17] =	ssyncset.done $0x0  }
0x5d: {  	[sflag:s17] =	ssyncadd.s32 $0xFFFFFE00  }
0x5e: {  	_ =	swait.ge [sflag:s17], $0x200  }
0x5f: {  	[sflag:s17] =	ssyncset.done $0x0  }
0x60: {  	[sflag:s17] =	ssyncadd.s32 $0xFFFFFE00  }
0x61: {  	[hbm4b:s18+s2] =	stream.linear.scatter [tilespmem:s6], [sflag:$0x2], $0x200, $0x38;
	[tilespmem:$0xE00] =	vst v63  }
0x62: {  	_ =	swait.ge [sflag:s3], $0x200  }
0x63: {  	[sflag:s3] =	ssyncset.done $0x0  }
0x64: {  	[sflag:s3] =	ssyncadd.s32 $0xFFFFFE00  }
0x65: {  	[hbm4b:s19+s2] =	stream.linear.scatter [tilespmem:s8], [sflag:$0x2], $0x200, $0x38;
	[tilespmem:$0xE00] =	vst v63  }
0x66: {  	_ =	swait.ge [sflag:s3], $0x200  }
0x67: {  	[sflag:s3] =	ssyncset.done $0x0  }
0x68: {  	[sflag:s3] =	ssyncadd.s32 $0xFFFFFE00  }
0x69: {  	[hbm4b:s20+s2] =	stream.linear.scatter [tilespmem:s10], [sflag:$0x2], $0x200, $0x38;
	[tilespmem:$0xE00] =	vst v63  }
0x6a: {  	_ =	swait.ge [sflag:s3], $0x200  }
0x6b: {  	[sflag:s3] =	ssyncset.done $0x0  }
0x6c: {  	[sflag:s3] =	ssyncadd.s32 $0xFFFFFE00  }
0x6d: {  	[hbm4b:s21+s2] =	stream.linear.scatter [tilespmem:s12], [sflag:$0x2], $0x200, $0x38;
	[tilespmem:$0xE00] =	vst v63  }
0x6e: {  	_ =	swait.ge [sflag:s3], $0x200  }
0x6f: {  	[sflag:s3] =	ssyncset.done $0x0  }
0x70: {  	[sflag:s3] =	ssyncadd.s32 $0xFFFFFE00  }
0x71: {  	[hbm4b:s22+s2] =	stream.linear.scatter [tilespmem:s14], [sflag:$0x2], $0x200, $0x38;
	[tilespmem:$0xE00] =	vst v63  }
0x72: {  	_ =	swait.ge [sflag:s3], $0x200  }
.Ltmp1:
0x73: {  	[sflag:s3] =	ssyncset.done $0x0;
	(pc) =	sbr.rel @p0 .LBB2_1-.Ltmp1, $4  }
0x74: {  	[sflag:s3] =	ssyncadd.s32 $0xFFFFFE00  }
0x75: {  	[hbm4b:s23+s2] =	stream.linear.scatter [tilespmem:s16], [sflag:$0x2], $0x200, $0x38;
	[tilespmem:$0xE00] =	vst v63  }
0x76: {  	_ =	swait.ge [sflag:s3], $0x200  }
0x77: {  	[sflag:s3] =	ssyncset.done $0x0  }
.LBB2_2:
0x78: {  	[sflag:s3] =	ssyncadd.s32 $0xFFFFFE00  }
0x79: {  	_ =	sfence.sel $0x180000  }
0x7a: {  	[bflag:$0x0] =	sbarrier.arrive $0xFFFF  }
0x7b: {  	p0 =	sne.s32 s1, $0x0;
	_ =	strace $0x90000047  }
0x7c: {  	s0 =	sadd.s32 @!p0 $0x100000, s0;
	[bflag:$0x2] =	sbarrier.arrive $0xFFFF  }
0x7d: {  	[sflag:s0] =	ssyncadd.tile.s32 @!p0 $0x1;
	_ =	shalt  }
.Lfunc_end2:
_tile_overlayer_lowered:
.L_overlay_start_2:
0x7e: {  	(tag) =	ssettag $0x2  }
0x7f: {  	s0 =	rddreg [dreg:$0x0];
	s2 =	stileid.u32  }
0x80: {  	s1 =	rddreg [dreg:$0x1];
	p0 =	sne.s32 s2, $0x0  }
0x81: {  	s3 =	rddreg [dreg:$0x2];
	[bflag:$0x3] =	sbarrier.arrive $0xFFFF;
	s2 =	simm.s32 @!p0 $0x1C02  }
0x82: {  	[timem:s3], [sflag:s2] =	dma.local @!p0 [hbm:s0], s1  }
0x83: {  	s0 =	simm.s32 @!p0 $0x2  }
0x84: {  	_ =	swait.ge @!p0 [sflag:s0], s1  }
0x85: {  	s1 =	ssub.s32 @!p0 $0x0, s1;
	[sflag:s0] =	ssyncset.done @!p0 $0x0  }
0x86: {  	[sflag:s0] =	ssyncadd.s32 @!p0 s1  }
0x87: {  	[bflag:$0x3] =	sbarrier.arrive $0xFFFF  }
0x88: {  	_ =	shalt  }

</sc_bundles>
